<compile_context>
chip_gen: v7x
topology: tpu7x:2x2x1
jax: 0.10.2.dev20260603
libtpu: 0.0.44.dev20260713+nightly
codegen_flags: <defaults>
</compile_context>

<pallas_src>
import functools

import jax
import jax.numpy as jnp
from jax import lax
from jax.experimental import pallas as pl
from jax.experimental.pallas import tpu as pltpu
from jax.experimental.pallas import tpu_sc as plsc

_B = 16
_LW = 4096
_LB = 2048
_LANES = 16
_HALF = _LW // 2


def _sc_weight_sums_body(weight_hbm, wlens_hbm, out_hbm, row_v, len_v, acc_v):
    nc = plsc.get_sparse_core_info().num_cores
    wid = lax.axis_index("s") * nc + lax.axis_index("c")
    r = wid % _B
    h = wid // _B

    pltpu.sync_copy(weight_hbm.at[r, pl.ds(h * _HALF, _HALF)], row_v)
    pltpu.sync_copy(wlens_hbm.at[r], len_v)
    len_vec = len_v[...]

    lane = lax.broadcasted_iota(jnp.int32, (_LANES,), 0)
    half_base = h * _HALF

    def body(j, accs):
        base = j * (4 * _LANES)
        out = []
        for k in range(4):
            v = row_v[pl.ds(base + k * _LANES, _LANES)]
            pos = half_base + base + k * _LANES + lane
            out.append(accs[k] + jnp.where(pos < len_vec, v, 0.0))
        return tuple(out)

    zeros = jnp.zeros((_LANES,), jnp.float32)
    accs = lax.fori_loop(0, _HALF // (4 * _LANES), body,
                         (zeros, zeros, zeros, zeros))
    acc_v[...] = (accs[0] + accs[1]) + (accs[2] + accs[3])
    pltpu.sync_copy(acc_v, out_hbm.at[wid])


_sc_weight_sums = functools.partial(
    pl.kernel,
    out_type=jax.ShapeDtypeStruct((2 * _B, _LANES), jnp.float32),
    mesh=plsc.VectorSubcoreMesh(core_axis_name="c", subcore_axis_name="s"),
    scratch_types=[
        pltpu.VMEM((_HALF,), jnp.float32),
        pltpu.VMEM((_LANES,), jnp.int32),
        pltpu.VMEM((_LANES,), jnp.float32),
    ],
)(_sc_weight_sums_body)


def _tc_encode_kernel(partials_ref, bias_ref, wlen_ref, blen_ref,
                      W_w_ref, b_w_ref, W_b_ref, b_b_ref,
                      W_enc_ref, b_enc_ref, out_ref):
    psums = jnp.sum(partials_ref[...], axis=1, keepdims=True)
    s_w = psums[:_B, :] + psums[_B:, :]

    blen = blen_ref[...]
    mask_b = jax.lax.broadcasted_iota(jnp.int32, (_B, _LB), 1) < blen
    s_b = jnp.sum(jnp.where(mask_b, bias_ref[...], 0.0), axis=1, keepdims=True)

    lwf = wlen_ref[...].astype(jnp.float32)
    lbf = blen.astype(jnp.float32)

    emb_w = jax.nn.sigmoid(s_w * W_w_ref[...][None, :] + lwf * b_w_ref[...][None, :])
    emb_b = jax.nn.sigmoid(s_b * W_b_ref[...][None, :] + lbf * b_b_ref[...][None, :])

    emb = jnp.concatenate([emb_w, emb_b], axis=1)
    enc = jnp.dot(emb, W_enc_ref[...], preferred_element_type=jnp.float32)
    out_ref[...] = jnp.maximum(enc + b_enc_ref[...][None, :], 0.0)


def kernel(weight, bias, weight_parameters, bias_parameters, W_w, b_w, W_b, b_b, W_enc, b_enc):
    B = weight.shape[0]
    H = W_enc.shape[1]
    wlen = weight_parameters.astype(jnp.int32)
    blen = bias_parameters.astype(jnp.int32)
    wlen_b = jnp.broadcast_to(wlen[:, None], (_B, _LANES))

    partials = _sc_weight_sums(weight, wlen_b)

    return pl.pallas_call(
        _tc_encode_kernel,
        out_shape=jax.ShapeDtypeStruct((B, H), jnp.float32),
    )(partials, bias, wlen.reshape(B, 1), blen.reshape(B, 1),
      W_w, b_w, W_b, b_b, W_enc, b_enc)

# --- scband reference (transcript-rebuilt; emitter-appended) ---
"""Pipeline reference for scband-gnnemb-variable-encoder-88502096101407 (READ-ONLY COPY).

The authoritative reference and input builder live on the scoring server;
editing this copy changes nothing except your own understanding.
"""

import jax, jax.numpy as jnp
import numpy as np

TEMP_DIM = 32
HIDDEN_DIM = 1024
B = 16
LW = 4096
LB = 2048


def setup_inputs(seed: int = 0) -> dict:
    key = jax.random.key(seed)
    ks = jax.random.split(key, 10)
    Dw = TEMP_DIM * TEMP_DIM
    Db = TEMP_DIM
    weight = jax.random.normal(ks[0], (B, LW), dtype=jnp.float32)
    bias = jax.random.normal(ks[1], (B, LB), dtype=jnp.float32)
    # lengths must be >= 1 for pack_padded_sequence semantics
    weight_parameters = jnp.maximum(jax.random.randint(ks[2], (B,), 0, LW), 1).astype(jnp.int64)
    bias_parameters = jnp.maximum(jax.random.randint(ks[3], (B,), 0, LB), 1).astype(jnp.int64)
    # nn.Linear(1, Dw): weight [Dw, 1] -> stored squeezed as [Dw], bias [Dw]
    W_w = jax.random.uniform(ks[4], (Dw,), jnp.float32, -1.0, 1.0)
    b_w = jax.random.uniform(ks[5], (Dw,), jnp.float32, -1.0, 1.0)
    # nn.Linear(1, Db)
    W_b = jax.random.uniform(ks[6], (Db,), jnp.float32, -1.0, 1.0)
    b_b = jax.random.uniform(ks[7], (Db,), jnp.float32, -1.0, 1.0)
    # encoder: nn.Linear(Dw + Db, HIDDEN_DIM); stored as [in, out]
    fan_in = Dw + Db
    bound = 1.0 / np.sqrt(fan_in)
    W_enc = jax.random.uniform(ks[8], (fan_in, HIDDEN_DIM), jnp.float32, -bound, bound)
    b_enc = jax.random.uniform(ks[9], (HIDDEN_DIM,), jnp.float32, -bound, bound)
    return {
        "weight": weight,
        "bias": bias,
        "weight_parameters": weight_parameters,
        "bias_parameters": bias_parameters,
        "W_w": W_w,
        "b_w": b_w,
        "W_b": W_b,
        "b_b": b_b,
        "W_enc": W_enc,
        "b_enc": b_enc,
    }


def _single_forward(data, lengths, W, b):
    # pack_padded_sequence -> Linear(1, D) on each valid scalar -> pad -> sum over time
    # equivalently: expand each scalar, mask out padding, sum over the time axis.
    expanded = data[:, :, None] * W[None, None, :] + b[None, None, :]  # [B, L, D]
    mask = (jnp.arange(data.shape[1])[None, :] < lengths[:, None]).astype(expanded.dtype)
    aggregated = jnp.sum(expanded * mask[:, :, None], axis=1)  # [B, D]
    return jax.nn.sigmoid(aggregated)


def reference(weight, bias, weight_parameters, bias_parameters, W_w, b_w, W_b, b_b, W_enc, b_enc):
    weight_embedding = _single_forward(weight, weight_parameters, W_w, b_w)  # [B, temp^2]
    bias_embedding = _single_forward(bias, bias_parameters, W_b, b_b)        # [B, temp]
    embedding = jnp.concatenate([weight_embedding, bias_embedding], axis=1)  # [B, temp*(temp+1)]
    encoded = embedding @ W_enc + b_enc
    return jax.nn.relu(encoded)

if __name__ == "__main__":
    import jax
    _d = setup_inputs()
    print(jax.jit(kernel)(*tuple(_d.values())))

</pallas_src>

<mosaic_0001>
#map = affine_map<(d0, d1) -> (0, 0)>
module attributes {stable_mosaic.version = 14 : i64} {
  func.func @_sc_weight_sums_body(%arg0: i32, %arg1: i32, %arg2: memref<16x4096xf32, #tpu.memory_space<hbm>>, %arg3: memref<16x16xi32, #tpu.memory_space<hbm>>, %arg4: memref<32x16xf32, #tpu.memory_space<hbm>>, %arg5: memref<2048xf32, #tpu.memory_space<vmem>>, %arg6: memref<16xi32, #tpu.memory_space<vmem>>, %arg7: memref<16xf32, #tpu.memory_space<vmem>>) attributes {dimension_semantics = [#tpu.dimension_semantics<core_parallel>, #tpu.dimension_semantics<subcore_parallel>], iteration_bounds = array<i64: 2, 16>, scalar_prefetch = 0 : i64, scratch_operands = 3 : i64, tpu.core_type = #tpu.core_type<sc_vector_subcore>, window_params = [{transform_indices = #map}, {transform_indices = #map}, {transform_indices = #map}]} {
    %mul3A = arith.constant 2 : i32
    %mul3A_0 = arith.muli %arg1, %mul3A : i32
    %add3A = arith.addi %mul3A_0, %arg0 : i32
    %jit3A = arith.constant 16 : i32
    %eq3A = arith.constant 0 : i32
    %eq3A_1 = arith.cmpi eq, %jit3A, %eq3A : i32
    %jit3A_2 = arith.constant 1 : i32
    %select_n3A = arith.select %eq3A_1, %jit3A_2, %jit3A : i32
    %rem3A = arith.remsi %add3A, %select_n3A : i32
    %ne3A = arith.constant 0 : i32
    %ne3A_3 = arith.cmpi ne, %rem3A, %ne3A : i32
    %lt3A = arith.constant 0 : i32
    %lt3A_4 = arith.cmpi slt, %rem3A, %lt3A : i32
    %lt3A_5 = arith.constant 0 : i32
    %lt3A_6 = arith.cmpi slt, %select_n3A, %lt3A_5 : i32
    %ne3A_7 = arith.xori %lt3A_4, %lt3A_6 : i1
    %and3A = arith.andi %ne3A_7, %ne3A_3 : i1
    %add3A_8 = arith.addi %rem3A, %select_n3A : i32
    %select_n3A_9 = arith.select %and3A, %add3A_8, %rem3A : i32
    %jit3A_10 = arith.constant 16 : i32
    %div3A = arith.divsi %add3A, %jit3A_10 : i32
    %sign3A = arith.constant 0 : i32
    %sign3A_11 = arith.cmpi sgt, %add3A, %sign3A : i32
    %sign3A_12 = arith.extui %sign3A_11 : i1 to i32
    %sign3A_13 = arith.constant 0 : i32
    %sign3A_14 = arith.cmpi slt, %add3A, %sign3A_13 : i32
    %sign3A_15 = arith.extui %sign3A_14 : i1 to i32
    %sign3A_16 = arith.subi %sign3A_12, %sign3A_15 : i32
    %sign3A_17 = arith.constant 0 : i32
    %sign3A_18 = arith.cmpi sgt, %jit3A_10, %sign3A_17 : i32
    %sign3A_19 = arith.extui %sign3A_18 : i1 to i32
    %sign3A_20 = arith.constant 0 : i32
    %sign3A_21 = arith.cmpi slt, %jit3A_10, %sign3A_20 : i32
    %sign3A_22 = arith.extui %sign3A_21 : i1 to i32
    %sign3A_23 = arith.subi %sign3A_19, %sign3A_22 : i32
    %ne3A_24 = arith.cmpi ne, %sign3A_16, %sign3A_23 : i32
    %rem3A_25 = arith.remsi %add3A, %jit3A_10 : i32
    %ne3A_26 = arith.constant 0 : i32
    %ne3A_27 = arith.cmpi ne, %rem3A_25, %ne3A_26 : i32
    %and3A_28 = arith.andi %ne3A_24, %ne3A_27 : i1
    %sub3A = arith.constant 1 : i32
    %sub3A_29 = arith.subi %div3A, %sub3A : i32
    %select_n3A_30 = arith.select %and3A_28, %sub3A_29, %div3A : i32
    %mul3A_31 = arith.constant 2048 : i32
    %mul3A_32 = arith.muli %select_n3A_30, %mul3A_31 : i32
    "tpu.region"() ({
      %run_scoped3A = tpu.sem_alloc : memref<!tpu.dma_semaphore, #tpu.memory_space<semaphore_mem>>
      %dma_start3A = tpu.memref_slice %arg2[%select_n3A_9, %mul3A_32] : memref<16x4096xf32, #tpu.memory_space<hbm>> -> memref<1x2048xf32, #tpu.memory_space<hbm>>
      %dma_start3A_49 = tpu.memref_squeeze %dma_start3A : memref<1x2048xf32, #tpu.memory_space<hbm>> -> memref<2048xf32, #tpu.memory_space<hbm>>
      %dma_start3A_50 = tpu.memref_slice %arg2[%select_n3A_9, %mul3A_32] : memref<16x4096xf32, #tpu.memory_space<hbm>> -> memref<1x2048xf32, #tpu.memory_space<hbm>>
      %dma_start3A_51 = tpu.memref_squeeze %dma_start3A_50 : memref<1x2048xf32, #tpu.memory_space<hbm>> -> memref<2048xf32, #tpu.memory_space<hbm>>
      tpu.enqueue_dma source(%dma_start3A_51 : memref<2048xf32, #tpu.memory_space<hbm>>) target(%arg5 : memref<2048xf32, #tpu.memory_space<vmem>>) target_semaphore(%run_scoped3A : memref<!tpu.dma_semaphore, #tpu.memory_space<semaphore_mem>>)
      %dma_wait3A = tpu.memref_slice %arg2[%select_n3A_9, %mul3A_32] : memref<16x4096xf32, #tpu.memory_space<hbm>> -> memref<1x2048xf32, #tpu.memory_space<hbm>>
      %dma_wait3A_52 = tpu.memref_squeeze %dma_wait3A : memref<1x2048xf32, #tpu.memory_space<hbm>> -> memref<2048xf32, #tpu.memory_space<hbm>>
      %dma_wait3A_53 = tpu.memref_slice %arg2[%select_n3A_9, %mul3A_32] : memref<16x4096xf32, #tpu.memory_space<hbm>> -> memref<1x2048xf32, #tpu.memory_space<hbm>>
      %dma_wait3A_54 = tpu.memref_squeeze %dma_wait3A_53 : memref<1x2048xf32, #tpu.memory_space<hbm>> -> memref<2048xf32, #tpu.memory_space<hbm>>
      tpu.wait_dma2 semaphore(%run_scoped3A : memref<!tpu.dma_semaphore, #tpu.memory_space<semaphore_mem>>) src(%dma_wait3A_54 : memref<2048xf32, #tpu.memory_space<hbm>>) dst(%arg5 : memref<2048xf32, #tpu.memory_space<vmem>>)
      tpu.yield
    }) : () -> ()
    "tpu.region"() ({
      %run_scoped3A = tpu.sem_alloc : memref<!tpu.dma_semaphore, #tpu.memory_space<semaphore_mem>>
      %dma_start3A = arith.constant 0 : i32
      %dma_start3A_49 = tpu.memref_slice %arg3[%select_n3A_9, %dma_start3A] : memref<16x16xi32, #tpu.memory_space<hbm>> -> memref<1x16xi32, #tpu.memory_space<hbm>>
      %dma_start3A_50 = tpu.memref_squeeze %dma_start3A_49 : memref<1x16xi32, #tpu.memory_space<hbm>> -> memref<16xi32, #tpu.memory_space<hbm>>
      %dma_start3A_51 = arith.constant 0 : i32
      %dma_start3A_52 = tpu.memref_slice %arg3[%select_n3A_9, %dma_start3A_51] : memref<16x16xi32, #tpu.memory_space<hbm>> -> memref<1x16xi32, #tpu.memory_space<hbm>>
      %dma_start3A_53 = tpu.memref_squeeze %dma_start3A_52 : memref<1x16xi32, #tpu.memory_space<hbm>> -> memref<16xi32, #tpu.memory_space<hbm>>
      tpu.enqueue_dma source(%dma_start3A_53 : memref<16xi32, #tpu.memory_space<hbm>>) target(%arg6 : memref<16xi32, #tpu.memory_space<vmem>>) target_semaphore(%run_scoped3A : memref<!tpu.dma_semaphore, #tpu.memory_space<semaphore_mem>>)
      %dma_wait3A = arith.constant 0 : i32
      %dma_wait3A_54 = tpu.memref_slice %arg3[%select_n3A_9, %dma_wait3A] : memref<16x16xi32, #tpu.memory_space<hbm>> -> memref<1x16xi32, #tpu.memory_space<hbm>>
      %dma_wait3A_55 = tpu.memref_squeeze %dma_wait3A_54 : memref<1x16xi32, #tpu.memory_space<hbm>> -> memref<16xi32, #tpu.memory_space<hbm>>
      %dma_wait3A_56 = arith.constant 0 : i32
      %dma_wait3A_57 = tpu.memref_slice %arg3[%select_n3A_9, %dma_wait3A_56] : memref<16x16xi32, #tpu.memory_space<hbm>> -> memref<1x16xi32, #tpu.memory_space<hbm>>
      %dma_wait3A_58 = tpu.memref_squeeze %dma_wait3A_57 : memref<1x16xi32, #tpu.memory_space<hbm>> -> memref<16xi32, #tpu.memory_space<hbm>>
      tpu.wait_dma2 semaphore(%run_scoped3A : memref<!tpu.dma_semaphore, #tpu.memory_space<semaphore_mem>>) src(%dma_wait3A_58 : memref<16xi32, #tpu.memory_space<hbm>>) dst(%arg6 : memref<16xi32, #tpu.memory_space<vmem>>)
      tpu.yield
    }) : () -> ()
    %get3A = arith.constant 0 : index
    %get3A_33 = tpu.vector_load %arg6[%get3A] {strides = array<i32>} : memref<16xi32, #tpu.memory_space<vmem>>, vector<16xi32>,
    %get3A_34 = vector.shape_cast %get3A_33 : vector<16xi32> to vector<16xi32>
    %iota3A = tpu.iota {dimensions = array<i32: 0>} : vector<16xi32>
    %mul3A_35 = arith.constant 2048 : i32
    %mul3A_36 = arith.muli %select_n3A_30, %mul3A_35 : i32
    %broadcast_in_dim3A = arith.constant 0.000000e+00 : f32
    %broadcast_in_dim3A_37 = vector.broadcast %broadcast_in_dim3A : f32 to vector<16xf32>
    %scan3A = arith.constant 0 : i32
    %scan3A_38 = arith.constant 32 : i32
    %scan3A_39 = arith.addi %scan3A, %scan3A_38 : i32
    %scan3A_40 = arith.constant 1 : i32
    %scan3A_41:4 = scf.for %scan3A_49 = %scan3A to %scan3A_39 step %scan3A_40 iter_args(%scan3A_50 = %broadcast_in_dim3A_37, %scan3A_51 = %broadcast_in_dim3A_37, %scan3A_52 = %broadcast_in_dim3A_37, %scan3A_53 = %broadcast_in_dim3A_37) -> (vector<16xf32>, vector<16xf32>, vector<16xf32>, vector<16xf32>)  : i32 {
      %mul3A_54 = arith.constant 64 : i32
      %mul3A_55 = arith.muli %scan3A_49, %mul3A_54 : i32
      %add3A_56 = arith.constant 0 : i32
      %add3A_57 = arith.addi %mul3A_55, %add3A_56 : i32
      %get3A_58 = arith.index_cast %add3A_57 : i32 to index
      %get3A_59 = tpu.vector_load %arg5[%get3A_58] {strides = array<i32>} : memref<2048xf32, #tpu.memory_space<vmem>>, vector<16xf32>,
      %get3A_60 = vector.shape_cast %get3A_59 : vector<16xf32> to vector<16xf32>
      %add3A_61 = arith.addi %mul3A_36, %mul3A_55 : i32
      %add3A_62 = arith.constant 0 : i32
      %add3A_63 = arith.addi %add3A_61, %add3A_62 : i32
      %add3A_64 = vector.broadcast %add3A_63 : i32 to vector<16xi32>
      %add3A_65 = arith.addi %add3A_64, %iota3A : vector<16xi32>
      %lt3A_66 = arith.cmpi slt, %add3A_65, %get3A_34 : vector<16xi32>
      %jit3A_67 = arith.constant 0.000000e+00 : f32
      %broadcast_in_dim3A_68 = vector.broadcast %jit3A_67 : f32 to vector<16xf32>
      %select_n3A_69 = arith.select %lt3A_66, %get3A_60, %broadcast_in_dim3A_68 : vector<16xi1>, vector<16xf32>
      %add3A_70 = arith.addf %scan3A_50, %select_n3A_69 : vector<16xf32>
      %add3A_71 = arith.constant 16 : i32
      %add3A_72 = arith.addi %mul3A_55, %add3A_71 : i32
      %get3A_73 = arith.index_cast %add3A_72 : i32 to index
      %get3A_74 = tpu.vector_load %arg5[%get3A_73] {strides = array<i32>} : memref<2048xf32, #tpu.memory_space<vmem>>, vector<16xf32>,
      %get3A_75 = vector.shape_cast %get3A_74 : vector<16xf32> to vector<16xf32>
      %add3A_76 = arith.addi %mul3A_36, %mul3A_55 : i32
      %add3A_77 = arith.constant 16 : i32
      %add3A_78 = arith.addi %add3A_76, %add3A_77 : i32
      %add3A_79 = vector.broadcast %add3A_78 : i32 to vector<16xi32>
      %add3A_80 = arith.addi %add3A_79, %iota3A : vector<16xi32>
      %lt3A_81 = arith.cmpi slt, %add3A_80, %get3A_34 : vector<16xi32>
      %jit3A_82 = arith.constant 0.000000e+00 : f32
      %broadcast_in_dim3A_83 = vector.broadcast %jit3A_82 : f32 to vector<16xf32>
      %select_n3A_84 = arith.select %lt3A_81, %get3A_75, %broadcast_in_dim3A_83 : vector<16xi1>, vector<16xf32>
      %add3A_85 = arith.addf %scan3A_51, %select_n3A_84 : vector<16xf32>
      %add3A_86 = arith.constant 32 : i32
      %add3A_87 = arith.addi %mul3A_55, %add3A_86 : i32
      %get3A_88 = arith.index_cast %add3A_87 : i32 to index
      %get3A_89 = tpu.vector_load %arg5[%get3A_88] {strides = array<i32>} : memref<2048xf32, #tpu.memory_space<vmem>>, vector<16xf32>,
      %get3A_90 = vector.shape_cast %get3A_89 : vector<16xf32> to vector<16xf32>
      %add3A_91 = arith.addi %mul3A_36, %mul3A_55 : i32
      %add3A_92 = arith.constant 32 : i32
      %add3A_93 = arith.addi %add3A_91, %add3A_92 : i32
      %add3A_94 = vector.broadcast %add3A_93 : i32 to vector<16xi32>
      %add3A_95 = arith.addi %add3A_94, %iota3A : vector<16xi32>
      %lt3A_96 = arith.cmpi slt, %add3A_95, %get3A_34 : vector<16xi32>
      %jit3A_97 = arith.constant 0.000000e+00 : f32
      %broadcast_in_dim3A_98 = vector.broadcast %jit3A_97 : f32 to vector<16xf32>
      %select_n3A_99 = arith.select %lt3A_96, %get3A_90, %broadcast_in_dim3A_98 : vector<16xi1>, vector<16xf32>
      %add3A_100 = arith.addf %scan3A_52, %select_n3A_99 : vector<16xf32>
      %add3A_101 = arith.constant 48 : i32
      %add3A_102 = arith.addi %mul3A_55, %add3A_101 : i32
      %get3A_103 = arith.index_cast %add3A_102 : i32 to index
      %get3A_104 = tpu.vector_load %arg5[%get3A_103] {strides = array<i32>} : memref<2048xf32, #tpu.memory_space<vmem>>, vector<16xf32>,
      %get3A_105 = vector.shape_cast %get3A_104 : vector<16xf32> to vector<16xf32>
      %add3A_106 = arith.addi %mul3A_36, %mul3A_55 : i32
      %add3A_107 = arith.constant 48 : i32
      %add3A_108 = arith.addi %add3A_106, %add3A_107 : i32
      %add3A_109 = vector.broadcast %add3A_108 : i32 to vector<16xi32>
      %add3A_110 = arith.addi %add3A_109, %iota3A : vector<16xi32>
      %lt3A_111 = arith.cmpi slt, %add3A_110, %get3A_34 : vector<16xi32>
      %jit3A_112 = arith.constant 0.000000e+00 : f32
      %broadcast_in_dim3A_113 = vector.broadcast %jit3A_112 : f32 to vector<16xf32>
      %select_n3A_114 = arith.select %lt3A_111, %get3A_105, %broadcast_in_dim3A_113 : vector<16xi1>, vector<16xf32>
      %add3A_115 = arith.addf %scan3A_53, %select_n3A_114 : vector<16xf32>
      scf.yield %add3A_70, %add3A_85, %add3A_100, %add3A_115 : vector<16xf32>, vector<16xf32>, vector<16xf32>, vector<16xf32>
    }
    %scan3A_42 = arith.constant 32 : i32
    %add3A_43 = arith.addf %scan3A_41#0, %scan3A_41#1 : vector<16xf32>
    %add3A_44 = arith.addf %scan3A_41#2, %scan3A_41#3 : vector<16xf32>
    %add3A_45 = arith.addf %add3A_43, %add3A_44 : vector<16xf32>
    %swap3A = arith.constant 0 : index
    %swap3A_46 = tpu.vector_load %arg7[%swap3A] {strides = array<i32>} : memref<16xf32, #tpu.memory_space<vmem>>, vector<16xf32>,
    %swap3A_47 = vector.shape_cast %swap3A_46 : vector<16xf32> to vector<16xf32>
    %swap3A_48 = vector.shape_cast %add3A_45 : vector<16xf32> to vector<16xf32>
    tpu.vector_store %arg7[%swap3A], %swap3A_48 {strides = array<i32>} : memref<16xf32, #tpu.memory_space<vmem>>, vector<16xf32>,
    "tpu.region"() ({
      %run_scoped3A = tpu.sem_alloc : memref<!tpu.dma_semaphore, #tpu.memory_space<semaphore_mem>>
      %dma_start3A = arith.constant 0 : i32
      %dma_start3A_49 = tpu.memref_slice %arg4[%add3A, %dma_start3A] : memref<32x16xf32, #tpu.memory_space<hbm>> -> memref<1x16xf32, #tpu.memory_space<hbm>>
      %dma_start3A_50 = tpu.memref_squeeze %dma_start3A_49 : memref<1x16xf32, #tpu.memory_space<hbm>> -> memref<16xf32, #tpu.memory_space<hbm>>
      %dma_start3A_51 = arith.constant 0 : i32
      %dma_start3A_52 = tpu.memref_slice %arg4[%add3A, %dma_start3A_51] : memref<32x16xf32, #tpu.memory_space<hbm>> -> memref<1x16xf32, #tpu.memory_space<hbm>>
      %dma_start3A_53 = tpu.memref_squeeze %dma_start3A_52 : memref<1x16xf32, #tpu.memory_space<hbm>> -> memref<16xf32, #tpu.memory_space<hbm>>
      tpu.enqueue_dma source(%arg7 : memref<16xf32, #tpu.memory_space<vmem>>) target(%dma_start3A_53 : memref<16xf32, #tpu.memory_space<hbm>>) target_semaphore(%run_scoped3A : memref<!tpu.dma_semaphore, #tpu.memory_space<semaphore_mem>>)
      %dma_wait3A = arith.constant 0 : i32
      %dma_wait3A_54 = tpu.memref_slice %arg4[%add3A, %dma_wait3A] : memref<32x16xf32, #tpu.memory_space<hbm>> -> memref<1x16xf32, #tpu.memory_space<hbm>>
      %dma_wait3A_55 = tpu.memref_squeeze %dma_wait3A_54 : memref<1x16xf32, #tpu.memory_space<hbm>> -> memref<16xf32, #tpu.memory_space<hbm>>
      %dma_wait3A_56 = arith.constant 0 : i32
      %dma_wait3A_57 = tpu.memref_slice %arg4[%add3A, %dma_wait3A_56] : memref<32x16xf32, #tpu.memory_space<hbm>> -> memref<1x16xf32, #tpu.memory_space<hbm>>
      %dma_wait3A_58 = tpu.memref_squeeze %dma_wait3A_57 : memref<1x16xf32, #tpu.memory_space<hbm>> -> memref<16xf32, #tpu.memory_space<hbm>>
      tpu.wait_dma2 semaphore(%run_scoped3A : memref<!tpu.dma_semaphore, #tpu.memory_space<semaphore_mem>>) src(%arg7 : memref<16xf32, #tpu.memory_space<vmem>>) dst(%dma_wait3A_58 : memref<16xf32, #tpu.memory_space<hbm>>)
      tpu.yield
    }) : () -> ()
    return
  }
}

module attributes {stable_mosaic.version = 14 : i64} {
  func.func @_tc_encode_kernel(%arg0: memref<32x16xf32, #tpu.memory_space<vmem>>, %arg1: memref<16x2048xf32, #tpu.memory_space<vmem>>, %arg2: memref<16x1xi32, #tpu.memory_space<vmem>>, %arg3: memref<16x1xi32, #tpu.memory_space<vmem>>, %arg4: memref<1024xf32, #tpu.memory_space<vmem>>, %arg5: memref<1024xf32, #tpu.memory_space<vmem>>, %arg6: memref<32xf32, #tpu.memory_space<vmem>>, %arg7: memref<32xf32, #tpu.memory_space<vmem>>, %arg8: memref<1056x1024xf32, #tpu.memory_space<vmem>>, %arg9: memref<1024xf32, #tpu.memory_space<vmem>>, %arg10: memref<16x1024xf32, #tpu.memory_space<vmem>>) attributes {dimension_semantics = [], scalar_prefetch = 0 : i64, scratch_operands = 0 : i64, tpu.core_type = #tpu.core_type<tc>} {
    %get3A = arith.constant 0 : index
    %get3A_0 = arith.constant 0 : index
    %get3A_1 = vector.load %arg0[%get3A, %get3A_0] : memref<32x16xf32, #tpu.memory_space<vmem>>, vector<32x16xf32>
    %reduce_sum3A = arith.constant dense<0.000000e+00> : vector<32xf32>
    %reduce_sum3A_2 = vector.multi_reduction <add>, %get3A_1, %reduce_sum3A [1] : vector<32x16xf32> to vector<32xf32>
    %broadcast_in_dim3A = vector.shape_cast %reduce_sum3A_2 : vector<32xf32> to vector<32x1xf32>
    %slice3A = vector.extract_strided_slice %broadcast_in_dim3A {offsets = [0, 0], sizes = [16, 1], strides = [1, 1]} : vector<32x1xf32> to vector<16x1xf32>
    %slice3A_3 = vector.extract_strided_slice %broadcast_in_dim3A {offsets = [16, 0], sizes = [16, 1], strides = [1, 1]} : vector<32x1xf32> to vector<16x1xf32>
    %add3A = arith.addf %slice3A, %slice3A_3 : vector<16x1xf32>
    %get3A_4 = arith.constant 0 : index
    %get3A_5 = arith.constant 0 : index
    %get3A_6 = vector.load %arg3[%get3A_4, %get3A_5] : memref<16x1xi32, #tpu.memory_space<vmem>>, vector<16x1xi32>
    %iota3A = tpu.iota {dimensions = array<i32: 1>} : vector<16x2048xi32>
    %lt3A = vector.broadcast %get3A_6 : vector<16x1xi32> to vector<16x2048xi32>
    %lt3A_7 = arith.cmpi slt, %iota3A, %lt3A : vector<16x2048xi32>
    %get3A_8 = arith.constant 0 : index
    %get3A_9 = arith.constant 0 : index
    %get3A_10 = vector.load %arg1[%get3A_8, %get3A_9] : memref<16x2048xf32, #tpu.memory_space<vmem>>, vector<16x2048xf32>
    %jit3A = arith.constant 0.000000e+00 : f32
    %broadcast_in_dim3A_11 = vector.broadcast %jit3A : f32 to vector<16x2048xf32>
    %select_n3A = arith.select %lt3A_7, %get3A_10, %broadcast_in_dim3A_11 : vector<16x2048xi1>, vector<16x2048xf32>
    %reduce_sum3A_12 = arith.constant dense<0.000000e+00> : vector<16xf32>
    %reduce_sum3A_13 = vector.multi_reduction <add>, %select_n3A, %reduce_sum3A_12 [1] : vector<16x2048xf32> to vector<16xf32>
    %broadcast_in_dim3A_14 = vector.shape_cast %reduce_sum3A_13 : vector<16xf32> to vector<16x1xf32>
    %get3A_15 = arith.constant 0 : index
    %get3A_16 = arith.constant 0 : index
    %get3A_17 = vector.load %arg2[%get3A_15, %get3A_16] : memref<16x1xi32, #tpu.memory_space<vmem>>, vector<16x1xi32>
    %convert_element_type3A = arith.sitofp %get3A_17 : vector<16x1xi32> to vector<16x1xf32>
    %convert_element_type3A_18 = arith.sitofp %get3A_6 : vector<16x1xi32> to vector<16x1xf32>
    %get3A_19 = arith.constant 0 : index
    %get3A_20 = vector.load %arg4[%get3A_19] : memref<1024xf32, #tpu.memory_space<vmem>>, vector<1024xf32>
    %broadcast_in_dim3A_21 = vector.shape_cast %get3A_20 : vector<1024xf32> to vector<1x1024xf32>
    %mul3A = vector.broadcast %add3A : vector<16x1xf32> to vector<16x1024xf32>
    %mul3A_22 = vector.broadcast %broadcast_in_dim3A_21 : vector<1x1024xf32> to vector<16x1024xf32>
    %mul3A_23 = arith.mulf %mul3A, %mul3A_22 : vector<16x1024xf32>
    %get3A_24 = arith.constant 0 : index
    %get3A_25 = vector.load %arg5[%get3A_24] : memref<1024xf32, #tpu.memory_space<vmem>>, vector<1024xf32>
    %broadcast_in_dim3A_26 = vector.shape_cast %get3A_25 : vector<1024xf32> to vector<1x1024xf32>
    %mul3A_27 = vector.broadcast %convert_element_type3A : vector<16x1xf32> to vector<16x1024xf32>
    %mul3A_28 = vector.broadcast %broadcast_in_dim3A_26 : vector<1x1024xf32> to vector<16x1024xf32>
    %mul3A_29 = arith.mulf %mul3A_27, %mul3A_28 : vector<16x1024xf32>
    %add3A_30 = arith.addf %mul3A_23, %mul3A_29 : vector<16x1024xf32>
    %logistic3A = arith.negf %add3A_30 : vector<16x1024xf32>
    %logistic3A_31 = math.exp %logistic3A : vector<16x1024xf32>
    %logistic3A_32 = arith.constant 1.000000e+00 : f32
    %logistic3A_33 = vector.broadcast %logistic3A_32 : f32 to vector<16x1024xf32>
    %logistic3A_34 = arith.addf %logistic3A_33, %logistic3A_31 : vector<16x1024xf32>
    %logistic3A_35 = arith.divf %logistic3A_33, %logistic3A_34 : vector<16x1024xf32>
    %get3A_36 = arith.constant 0 : index
    %get3A_37 = vector.load %arg6[%get3A_36] : memref<32xf32, #tpu.memory_space<vmem>>, vector<32xf32>
    %broadcast_in_dim3A_38 = vector.shape_cast %get3A_37 : vector<32xf32> to vector<1x32xf32>
    %mul3A_39 = vector.broadcast %broadcast_in_dim3A_14 : vector<16x1xf32> to vector<16x32xf32>
    %mul3A_40 = vector.broadcast %broadcast_in_dim3A_38 : vector<1x32xf32> to vector<16x32xf32>
    %mul3A_41 = arith.mulf %mul3A_39, %mul3A_40 : vector<16x32xf32>
    %get3A_42 = arith.constant 0 : index
    %get3A_43 = vector.load %arg7[%get3A_42] : memref<32xf32, #tpu.memory_space<vmem>>, vector<32xf32>
    %broadcast_in_dim3A_44 = vector.shape_cast %get3A_43 : vector<32xf32> to vector<1x32xf32>
    %mul3A_45 = vector.broadcast %convert_element_type3A_18 : vector<16x1xf32> to vector<16x32xf32>
    %mul3A_46 = vector.broadcast %broadcast_in_dim3A_44 : vector<1x32xf32> to vector<16x32xf32>
    %mul3A_47 = arith.mulf %mul3A_45, %mul3A_46 : vector<16x32xf32>
    %add3A_48 = arith.addf %mul3A_41, %mul3A_47 : vector<16x32xf32>
    %logistic3A_49 = arith.negf %add3A_48 : vector<16x32xf32>
    %logistic3A_50 = math.exp %logistic3A_49 : vector<16x32xf32>
    %logistic3A_51 = arith.constant 1.000000e+00 : f32
    %logistic3A_52 = vector.broadcast %logistic3A_51 : f32 to vector<16x32xf32>
    %logistic3A_53 = arith.addf %logistic3A_52, %logistic3A_50 : vector<16x32xf32>
    %logistic3A_54 = arith.divf %logistic3A_52, %logistic3A_53 : vector<16x32xf32>
    %concatenate3A = tpu.concatenate %logistic3A_35, %logistic3A_54 in 1 : vector<16x1024xf32>, vector<16x32xf32> -> vector<16x1056xf32>
    %get3A_55 = arith.constant 0 : index
    %get3A_56 = arith.constant 0 : index
    %get3A_57 = vector.load %arg8[%get3A_55, %get3A_56] : memref<1056x1024xf32, #tpu.memory_space<vmem>>, vector<1056x1024xf32>
    %dot_general3A = arith.constant dense<0.000000e+00> : vector<16x1024xf32>
    %dot_general3A_58 = tpu.matmul %concatenate3A, %get3A_57, %dot_general3A {dimension_numbers = #tpu.dot_dimension_numbers<[1], [0], [0], [1], [0, 0, 1, 1], [], []>, transpose_lhs_hint = false} : vector<16x1056xf32>, vector<1056x1024xf32>, vector<16x1024xf32> -> vector<16x1024xf32>
    %get3A_59 = arith.constant 0 : index
    %get3A_60 = vector.load %arg9[%get3A_59] : memref<1024xf32, #tpu.memory_space<vmem>>, vector<1024xf32>
    %broadcast_in_dim3A_61 = vector.shape_cast %get3A_60 : vector<1024xf32> to vector<1x1024xf32>
    %add3A_62 = vector.broadcast %broadcast_in_dim3A_61 : vector<1x1024xf32> to vector<16x1024xf32>
    %add3A_63 = arith.addf %dot_general3A_58, %add3A_62 : vector<16x1024xf32>
    %max3A = arith.constant 0.000000e+00 : f32
    %max3A_64 = vector.broadcast %max3A : f32 to vector<16x1024xf32>
    %max3A_65 = arith.maximumf %add3A_63, %max3A_64 : vector<16x1024xf32>
    %swap3A = arith.constant 0 : index
    %swap3A_66 = arith.constant 0 : index
    %swap3A_67 = vector.load %arg10[%swap3A, %swap3A_66] : memref<16x1024xf32, #tpu.memory_space<vmem>>, vector<16x1024xf32>
    tpu.vector_store %arg10[%swap3A, %swap3A_66], %max3A_65 {strides = array<i32>} : memref<16x1024xf32, #tpu.memory_space<vmem>>, vector<16x1024xf32>,
    return
  }
}

</mosaic_0001>

<sc_bundles>
// kernel: kernel.4.cloned.1.call-start
scs
__scs_entry_jumppad:
0x0: {  	(pc) =	sbr.rel $0x88, $3  }
0x1: {  	(tag) =	ssettag $0x0;
	lr =	simm.s32 $0x1  }
0x2: {  	[smem:$0x3F97] =	sst lr;
	_ =	strace $0xD0000000  }
0x3: {  	_ = 	snop  }
0x4: {  	_ = 	snop  }
0x5: {  	_ = 	snop  }
0x6: {  	_ = 	snop  }
0x7: {  	_ = 	snop  }
__scs_overlays_trampoline_lowered:
0x8: {  	[smem:$0x3FA6] =	sst s0  }
0x9: {  	[smem:$0x3FA7] =	sst s1  }
0xa: {  	[smem:$0x3FA8] =	sst s2  }
0xb: {  	[smem:$0x3FA9] =	sst s3  }
0xc: {  	[smem:$0x3FAA] =	sst s4  }
0xd: {  	[smem:$0x3FAB] =	sst s5  }
0xe: {  	[smem:$0x3FAC] =	sst s6  }
0xf: {  	[smem:$0x3FAD] =	sst s7  }
0x10: {  	[smem:$0x3FAE] =	sst s8  }
0x11: {  	[smem:$0x3FAF] =	sst s9;
	s0 =	simm.s32 @!p0 $0x0  }
0x12: {  	s1 =	sld [smem:$0x3F95];
	s0 =	simm.s32 @p0 $0x1  }
0x13: {  	[smem:$0x3FB0] =	sst s0;
	s0 =	simm.s32 @!p1 $0x0  }
0x14: {  	s2 =	sld [smem:$0x3F94];
	s0 =	simm.s32 @p1 $0x1  }
0x15: {  	[smem:$0x3FB1] =	sst s0;
	s0 =	simm.s32 @!p2 $0x0  }
0x16: {  	s3 =	sld [smem:$0x3FDB];
	s0 =	simm.s32 @p2 $0x1  }
0x17: {  	s4 =	simm.s32 $0x1BF5;
	[smem:$0x3FB3] =	sst s0  }
0x18: {  	s0 =	sld [smem:$0x3F96];
	_ =	swait.ge [sflag:s4], $0x0  }
0x19: {  	s7 =	sld [smem:$0x3F97]  }
0x1a: {  	s8 =	sadd.s32 $0xFFFFE003, lr  }
0x1b: {  	s9 =	sadd.s32 $0xFFFFFEF7, lr;
	s5 =	simm.s32 $0xFFFFFFFF;
	p2 =	slt.u32 s8, $0xFFFFF086  }
0x1c: {  	p1 =	slt.u32 s9, $0xF7A;
	s5 =	simm.s32 @!p2 $0x0  }
0x1d: {  	s5 =	simm.s32 @p1 $0x1;
	p0 =	seq.s32 s7, s2  }
0x1e: {  	s7 =	smul.u32 @!p0 $0xF7A, s2;
	p2 =	seq.s32 @!p0 s5, $0x0  }
0x1f: {  	s9 =	smul.u32 $0xF7A, s1;
	s8 =	simm.s32 @!p0 $0x1BF5;
	p2 =	por !p2, p0  }
0x20: {  	[sflag:s8] =	ssyncset.s32 @!p0 $0xFFFFF086;
	s6 =	sadd.s32 @!p0 s3, s7;
	s7 =	simm.s32 @!p0 $0x108  }
0x21: {  	s3 =	sadd.s32 s3, s9;
	s6 =	sadd.s32 @!p0 $0x88, s6;
	s7 =	simm.s32 @p2 $0x1082  }
0x22: {  	[simem:s7], [sflag:s8] =	dma.local @!p0 [hbm:s6], $0xF7A  }
0x23: {  	s9 =	sor.u32 $0xD0000000, s2;
	s6 =	simm.s32 $0x108;
	_ =	swait.ge @!p0 [sflag:s8], $0x0  }
0x24: {  	s3 =	sadd.s32 $0x88, s3;
	s6 =	simm.s32 @!p1 $0x1082;
	[sflag:s4] =	ssyncset.s32 $0xFFFFF086  }
0x25: {  	[simem:s6], [sflag:s4] =	dma.local [hbm:s3], $0xF7A  }
0x26: {  	[smem:$0x3F97] =	sst s1;
	(tag) =	ssettag s2;
	_ =	strace s9  }
0x27: {  	s1 =	sld [smem:$0x3FA7]  }
0x28: {  	s2 =	sld [smem:$0x3FA8]  }
0x29: {  	s4 =	sld [smem:$0x3FAA]  }
0x2a: {  	p0 =	seq.s32 s5, $0x0;
	s5 =	sld [smem:$0x3FAB]  }
0x2b: {  	s6 =	sld [smem:$0x3FAC]  }
0x2c: {  	s7 =	sld [smem:$0x3FAD]  }
0x2d: {  	s3 =	simm.s32 $0x108;
	s8 =	sld [smem:$0x3FAE]  }
0x2e: {  	s3 =	simm.s32 @!p0 $0x1082;
	s9 =	sld [smem:$0x3FAF]  }
0x2f: {  	lr =	sadd.s32 s0, s3;
	s0 =	sld [smem:$0x3FA6]  }
0x30: {  	s3 =	sld [smem:$0x3FA9]  }
0x31: {  	[smem:$0x3FB2] =	sst s10  }
0x32: {  	s10 =	sld [smem:$0x3FB0];
	_ =	sdelay $0x3  }
0x33: {  	p0 =	seq.s32 s10, $0x1;
	s10 =	sld [smem:$0x3FB2];
	_ =	sdelay $0x3  }
0x34: {  	[smem:$0x3FB2] =	sst s10  }
0x35: {  	s10 =	sld [smem:$0x3FB1];
	_ =	sdelay $0x3  }
0x36: {  	p1 =	seq.s32 s10, $0x1;
	s10 =	sld [smem:$0x3FB2];
	_ =	sdelay $0x3  }
0x37: {  	[smem:$0x3FB2] =	sst s10  }
0x38: {  	s10 =	sld [smem:$0x3FB3]  }
0x39: {  	_ = 	snop;
	(pc) =	sbr.ind lr, $3  }
0x3a: {  	_ = 	snop  }
0x3b: {  	_ = 	snop  }
0x3c: {  	p2 =	seq.s32 s10, $0x1;
	s10 =	sld [smem:$0x3FB2]  }
0x3d: {  	_ =	shalt  }
0x3e: {  	_ =	shalt  }
0x3f: {  	_ =	shalt  }
0x40: {  	_ =	shalt  }
0x41: {  	_ =	shalt  }
0x42: {  	_ =	shalt  }
0x43: {  	_ =	shalt  }
0x44: {  	_ =	shalt  }
0x45: {  	_ =	shalt  }
0x46: {  	_ =	shalt  }
0x47: {  	_ =	shalt  }
0x48: {  	_ =	shalt  }
0x49: {  	_ =	shalt  }
0x4a: {  	_ =	shalt  }
0x4b: {  	_ =	shalt  }
0x4c: {  	_ =	shalt  }
0x4d: {  	_ =	shalt  }
0x4e: {  	_ =	shalt  }
0x4f: {  	_ =	shalt  }
0x50: {  	_ =	shalt  }
0x51: {  	_ =	shalt  }
0x52: {  	_ =	shalt  }
0x53: {  	_ =	shalt  }
0x54: {  	_ =	shalt  }
0x55: {  	_ =	shalt  }
0x56: {  	_ =	shalt  }
0x57: {  	_ =	shalt  }
0x58: {  	_ =	shalt  }
0x59: {  	_ =	shalt  }
0x5a: {  	_ =	shalt  }
0x5b: {  	_ =	shalt  }
0x5c: {  	_ =	shalt  }
0x5d: {  	_ =	shalt  }
0x5e: {  	_ =	shalt  }
0x5f: {  	_ =	shalt  }
0x60: {  	_ =	shalt  }
0x61: {  	_ =	shalt  }
0x62: {  	_ =	shalt  }
0x63: {  	_ =	shalt  }
0x64: {  	_ =	shalt  }
0x65: {  	_ =	shalt  }
0x66: {  	_ =	shalt  }
0x67: {  	_ =	shalt  }
0x68: {  	_ =	shalt  }
0x69: {  	_ =	shalt  }
0x6a: {  	_ =	shalt  }
0x6b: {  	_ =	shalt  }
0x6c: {  	_ =	shalt  }
0x6d: {  	_ =	shalt  }
0x6e: {  	_ =	shalt  }
0x6f: {  	_ =	shalt  }
0x70: {  	_ =	shalt  }
0x71: {  	_ =	shalt  }
0x72: {  	_ =	shalt  }
0x73: {  	_ =	shalt  }
0x74: {  	_ =	shalt  }
0x75: {  	_ =	shalt  }
0x76: {  	_ =	shalt  }
0x77: {  	_ =	shalt  }
0x78: {  	_ =	shalt  }
0x79: {  	_ =	shalt  }
0x7a: {  	_ =	shalt  }
0x7b: {  	_ =	shalt  }
0x7c: {  	_ =	shalt  }
0x7d: {  	_ =	shalt  }
0x7e: {  	_ =	shalt  }
0x7f: {  	_ =	shalt  }
0x80: {  	_ =	shalt  }
0x81: {  	_ =	shalt  }
0x82: {  	_ =	shalt  }
0x83: {  	_ =	shalt  }
0x84: {  	_ =	shalt  }
0x85: {  	_ =	shalt  }
0x86: {  	_ =	shalt  }
0x87: {  	_ =	shalt  }
.Lfunc_end0:
.L_simem_size_0:
called_computation_lowered:
.L_overlay_start_0:
0x88: {  	s2 =	sld [smem:$0x3FD9]  }
0x89: {  	s3 =	sld [smem:$0x3FFE];
	_ =	sdelay $0x1  }
0x8a: {  	s1 =	srdreg.scid  }
0x8b: {  	s0 =	sand.u32 $0x1, s1  }
0x8c: {  	s17 =	sshll.u32 s0, $0xA;
	s2 =	sadd.s32 s3, s2  }
0x8d: {  	s2 =	sadd.s32 s2, s17  }
0x8e: {  	[smem:$0x3FBE] =	sst s2  }
0x8f: {  	_ = 	snop  }
0x90: {  	s2 =	sld [smem:$0x3FC9]  }
0x91: {  	s18 =	sld [smem:$0x3FD0];
	(tm) =	ssettm $0x1  }
0x92: {  	s4 =	sld [smem:$0x3FFB];
	_ =	sdelay $0x3  }
0x93: {  	_ =	strace s4  }
0x94: {  	s4 =	sld [smem:$0x3FFC];
	_ =	sdelay $0x3  }
0x95: {  	_ =	strace s4  }
0x96: {  	s4 =	sld [smem:$0x3FFD];
	_ =	sdelay $0x3  }
0x97: {  	_ =	strace s4  }
0x98: {  	_ =	strace $0x8FFFFFFF  }
0x99: {  	s19 =	sld [smem:$0x3FDB];
	_ =	sdelay $0x1  }
0x9a: {  	s5 =	simm.s32 $_scs_section_size  }
0x9b: {  	s6 =	simm.s32 $_size__tile_overlayer_lowered;
	s7 =	simm.s32 $_tile_overlayer_lowered  }
0x9c: {  	s22 =	simm.s32 $0x1BFF;
	s21 =	sshll.u32 s7, $0x1;
	s4 =	sadd.s32 s5, s19  }
0x9d: {  	s8 =	simm.s32 $0x0;
	s20 =	sshll.u32 s6, $0x1;
	s6 =	sadd.s32 s21, s4  }
0x9e: {  	[timem:s8], [sflag:s22] =	dma.local [hbm:s6], s20  }
0x9f: {  	_ =	swait.ge [sflag:s22], s20  }
0xa0: {  	s5 =	ssub.s32 $0x0, s20;
	[sflag:s22] =	ssyncset.done $0x0  }
0xa1: {  	[sflag:s22] =	ssyncadd.s32 s5;
	_ =	sdelay $0x1  }
0xa2: {  	s23 =	simm.s32 $0x1B8B  }
0xa3: {  	_ =	swait.ge [sflag:s23], $0x1  }
0xa4: {  	[sflag:s23] =	ssyncset.done $0x0  }
0xa5: {  	s25 =	simm.s32 $0x1B8E;
	s24 =	sld [smem:$0x3FFE];
	[sflag:s23] =	ssyncadd.s32 $0xFFFFFFFF  }
0xa6: {  	s26 =	simm.s32 $execute0_lowered;
	[smem:$0x3FD2] =	sst s25  }
0xa7: {  	s6 =	sshll.u32 s26, $0x1;
	_ =	strace $0x80000046;
	[dreg:$0x1] =	wrdreg $0xFFFFFFFF  }
0xa8: {  	s28 =	simm.s32 $_size_execute0_lowered;
	s4 =	sadd.s32 s4, s6;
	[dreg:$0x0] =	wrdreg $0x0  }
0xa9: {  	s6 =	sshll.u32 s28, $0x1;
	[dreg:$0x2] =	wrdreg s4  }
0xaa: {  	[dreg:$0x3] =	wrdreg s6  }
0xab: {  	[dreg:$0x4] =	wrdreg $0xC0  }
0xac: {  	_ =	task [dreg:s8], $0x5FFFF  }
0xad: {  	[dreg:$0x1] =	wrdreg $0xFFFFFFFF  }
0xae: {  	[dreg:$0x0] =	wrdreg $0x60  }
0xaf: {  	[dreg:$0x2] =	wrdreg s2  }
0xb0: {  	[dreg:$0x3] =	wrdreg s24  }
0xb1: {  	[dreg:$0x4] =	wrdreg s18  }
0xb2: {  	[dreg:$0x5] =	wrdreg $0x9  }
0xb3: {  	_ =	task.clear_ibuf [dreg:s8], $0x6FFFF;
	_ =	strace $0x90000046  }
0xb4: {  	s29 =	simm.s32 $0x9;
	_ =	strace $0x80000048  }
0xb5: {  	_ =	swait.ge [sflag:s29], $0x1  }
0xb6: {  	[sflag:s29] =	ssyncadd.s32 $0xFFFFFFFF  }
0xb7: {  	_ =	strace $0x90000048  }
0xb8: {  	_ =	sfence  }
0xb9: {  	s30 =	sld [smem:$0x0];
	_ =	sdelay $0x2  }
0xba: {  	s31 =	sshll.u32 s1, $0xD;
	s1 =	sshrl.u32 s1, $0x2  }
0xbb: {  	s3 =	sand.u32 $0x4000, s31;
	s1 =	sadd.s32 s1, s30  }
0xbc: {  	s0 =	sor.u32 s3, s0;
	s1 =	sshll.u32 s1, $0x11  }
0xbd: {  	s0 =	sor.u32 s1, s0  }
0xbe: {  	s0 =	sadd.s32 $0x8F2B, s0  }
0xbf: {  	[sflag:s0] =	ssyncadd.remote.s32 $0x1  }
0xc0: {  	_ =	sfence.sel $0xFFFF  }
0xc1: {  	[dreg:$0x0] =	wrdreg $0xFFFFFFFF;
	(pc) =	sbr.abs _section_cstart, $3  }
0xc2: {  	[dreg:$0x1] =	wrdreg $0xFFFFFFFF  }
0xc3: {  	_ =	task.clear_ibuf [dreg:s8], $0x2FFFF;
	_ =	strace $0x9FFFFFFF  }
0xc4: {  	(tm) =	ssettm $0x7FFFFFFF  }
0xc5: {  	_ =	shalt  }
tec
execute0_lowered:
.L_overlay_start_1:
0x0: {  	(tag) =	ssettag $0x1  }
0x1: {  	s4 =	rddreg [dreg:$0x0]  }
0x2: {  	s3 =	rddreg [dreg:$0x1]  }
0x3: {  	s6 =	rddreg [dreg:$0x2]  }
0x4: {  	s0 =	rddreg [dreg:$0x3];
	s5 =	srdreg.scid  }
0x5: {  	s1 =	stileid.u32;
	s2 =	simm.s32 $0x0;
	s13 =	simm.s32 $0x0  }
0x6: {  	s5 =	sand.u32 $0x1, s5;
	s7 =	sshll.u32 s1, $0x1;
	[smem:$0x7FF] =	sst s2  }
0x7: {  	s8 =	sshrl.u32 s1, $0x2;
	s10 =	sshrl.u32 s1, $0x3;
	s7 =	sor.u32 s5, s7  }
0x8: {  	_ =	strace $0x80000047;
	s8 =	sand.u32 $0x1, s8;
	s12 =	sshll.u32 s10, $0xE  }
0x9: {  	s5 =	ssub.s32 $0x2, s5;
	s9 =	sshll.u32 s7, $0x7;
	s11 =	sshll.u32 s8, $0xA  }
0xa: {  	s8 =	sshll.u32 s8, $0xF;
	s28 =	sshrl.u32 s5, $0x1;
	s7 =	sshll.u32 s7, $0x4  }
0xb: {  	s9 =	sand.u32 $0x380, s9;
	s8 =	sor.u32 s12, s8;
	s30 =	ssub.s32 s5, s28  }
0xc: {  	s6 =	sadd.s32 s6, s7;
	s12 =	simm.s32 $0x880;
	s11 =	sor.u32 s11, s9  }
0xd: {  	s8 =	sor.u32 s9, s8;
	s7 =	smax.u32 s30, $0x1;
	s9 =	simm.s32 $0x400  }
0xe: {  	s11 =	sshrl.u32 s11, $0x3;
	s31 =	sshrl.u32 s8, $0x3;
	s8 =	simm.s32 $0x80  }
0xf: {  	s29 =	sadd.s32 s11, s3;
	s3 =	sshll.u32 s10, $0xB;
	s4 =	sadd.s32 s4, s31  }
0x10: {  	v0 =	vlaneseq.u32;
	s10 =	simm.s32 $0x1;
	s11 =	simm.s32 $0x800;
	s5 =	sadd.s32 $0x1400, s29  }
.LBB2_1:
0x11: {  	[tilespmem:s2], [sflag:$0x1] =	stream.strided.gather [hbm4b:s4+s8], $0x800, s9, s8, $0x38;
	[tilespmem:$0x900] =	vst v63  }
0x12: {  	_ =	swait.ge [sflag:s10], $0x800  }
0x13: {  	[sflag:s10] =	ssyncset.done $0x0  }
0x14: {  	[sflag:s10] =	ssyncadd.s32 $0xFFFFF800  }
0x15: {  	[tilespmem:s11], [sflag:$0x1] =	stream.linear.gather [hbm4b:s5+s2], $0x80, $0x38;
	[tilespmem:$0x900] =	vst v63  }
0x16: {  	_ =	swait.ge [sflag:s10], $0x80  }
0x17: {  	[sflag:s10] =	ssyncset.done $0x0  }
0x18: {  	[sflag:s10] =	ssyncadd.s32 $0xFFFFFF80  }
0x19: {  	v1 =	vld [tilespmem:$0x800];
	_ =	sdelay $0x1  }
0x1a: {  	s15 =	simm.s32 $0x20;
	s14 =	sadd.s32 $0x0, s3  }
0x1b: {  	s16 =	sadd.s32 $0x10, s14;
	v5 =	vld [tilespmem:s15+$0x10]  }
0x1c: {  	s17 =	sadd.s32 $0x30, s14;
	v3 =	vor.u32 s16, v0;
	v4 =	vld [tilespmem:s15+$0xFFFFFFF0]  }
0x1d: {  	v6 =	vor.u32 s14, v0;
	s14 =	sadd.s32 $0x20, s14;
	v7 =	vor.u32 s17, v0;
	vm2 =	vlt.s32 v3, v1;
	v3 =	vld [tilespmem:s15+$0x0]  }
0x1e: {  	v2 =	vimm.f32 $0.0e+00;
	v8 =	vor.u32 s14, v0;
	vm3 =	vlt.s32 v7, v1;
	v7 =	vld [tilespmem:s15+$0xFFFFFFE0]  }
0x1f: {  	vm1 =	vlt.s32 v8, v1;
	vm0 =	vlt.s32 v6, v1;
	v8 =	vimm.f32 $0.0e+00  }
0x20: {  	s14 =	simm.s32 $0x40;
	s15 =	simm.s32 $0x60;
	v6 =	vimm.f32 $0.0e+00;
	v9 =	vnsel vm3, $0x0, v5;
	v5 =	vimm.f32 $0.0e+00  }
.LBB2_2:
0x21: {  	v10 =	vld [tilespmem:s15+$0x10];
	p0 =	sne.s32 s14, $0x7C0;
	v11 =	vnsel vm2, $0x0, v4;
	v2 =	vadd.f32 v9, v2;
	s16 =	smov.u32 s14;
	s14 =	sadd.s32 $0x40, s14  }
.Ltmp0:
0x22: {  	s16 =	sadd.s32 s16, s3;
	v4 =	vld [tilespmem:s15+$0xFFFFFFF0];
	v8 =	vadd.f32 v11, v8;
	v9 =	vnsel vm1, $0x0, v3;
	(pc) =	sbr.rel @p0 .LBB2_2-.Ltmp0, $4  }
0x23: {  	v11 =	vor.u32 s16, v0;
	s17 =	sadd.s32 $0x10, s16;
	v3 =	vld [tilespmem:s15+$0x0];
	s18 =	sadd.s32 $0x20, s16;
	s16 =	sadd.s32 $0x30, s16;
	v12 =	vnsel vm0, $0x0, v7;
	v5 =	vadd.f32 v9, v5  }
0x24: {  	v7 =	vld [tilespmem:s15+$0xFFFFFFE0];
	v9 =	vor.u32 s17, v0;
	v13 =	vor.u32 s18, v0;
	v14 =	vor.u32 s16, v0  }
0x25: {  	vm2 =	vlt.s32 v9, v1;
	vm1 =	vlt.s32 v13, v1;
	vm3 =	vlt.s32 v14, v1  }
0x26: {  	vm0 =	vlt.s32 v11, v1;
	s15 =	sadd.s32 $0x40, s15;
	v6 =	vadd.f32 v12, v6;
	v9 =	vnsel vm3, $0x0, v10  }
0x27: {  	_ = 	snop  }
0x28: {  	v1 =	vnsel vm2, $0x0, v4;
	v2 =	vadd.f32 v9, v2  }
0x29: {  	v1 =	vadd.f32 v1, v8;
	v3 =	vnsel vm1, $0x0, v3;
	v63 =	vnsel vm0, $0x0, v7  }
0x2a: {  	v3 =	vadd.f32 v3, v5;
	v4 =	vadd.f32 v63, v6;
	_ =	sdelay $0x1  }
0x2b: {  	v2 =	vadd.f32 v2, v3;
	v1 =	vadd.f32 v1, v4;
	_ =	sdelay $0x1  }
0x2c: {  	s13 =	sadd.s32 $0x1, s13;
	v1 =	vadd.f32 v2, v1  }
0x2d: {  	p0 =	sne.s32 s13, s7  }
.Ltmp1:
0x2e: {  	[tilespmem:$0x880] =	vst v1;
	(pc) =	sbr.rel @p0 .LBB2_1-.Ltmp1, $4  }
0x2f: {  	[hbm4b:s6+s2] =	stream.linear.scatter [tilespmem:s12], [sflag:$0x1], $0x80, $0x38;
	[tilespmem:$0x900] =	vst v63  }
0x30: {  	_ =	swait.ge [sflag:s10], $0x80  }
0x31: {  	[sflag:s10] =	ssyncset.done $0x0  }
0x32: {  	[sflag:s10] =	ssyncadd.s32 $0xFFFFFF80  }
0x33: {  	_ =	sfence.sel $0x180000  }
0x34: {  	[bflag:$0x0] =	sbarrier.arrive $0xFFFF  }
0x35: {  	p0 =	sne.s32 s1, $0x0;
	_ =	strace $0x90000047  }
0x36: {  	s0 =	sadd.s32 @!p0 $0x100000, s0;
	[bflag:$0x2] =	sbarrier.arrive $0xFFFF  }
0x37: {  	[sflag:s0] =	ssyncadd.tile.s32 @!p0 $0x1;
	_ =	shalt  }
.Lfunc_end2:
_tile_overlayer_lowered:
.L_overlay_start_2:
0x38: {  	(tag) =	ssettag $0x2  }
0x39: {  	s0 =	rddreg [dreg:$0x0];
	s2 =	stileid.u32  }
0x3a: {  	s1 =	rddreg [dreg:$0x1];
	p0 =	sne.s32 s2, $0x0  }
0x3b: {  	s3 =	rddreg [dreg:$0x2];
	[bflag:$0x3] =	sbarrier.arrive $0xFFFF;
	s2 =	simm.s32 @!p0 $0x1C01  }
0x3c: {  	[timem:s3], [sflag:s2] =	dma.local @!p0 [hbm:s0], s1  }
0x3d: {  	s0 =	simm.s32 @!p0 $0x1  }
0x3e: {  	_ =	swait.ge @!p0 [sflag:s0], s1  }
0x3f: {  	s1 =	ssub.s32 @!p0 $0x0, s1;
	[sflag:s0] =	ssyncset.done @!p0 $0x0  }
0x40: {  	[sflag:s0] =	ssyncadd.s32 @!p0 s1  }
0x41: {  	[bflag:$0x3] =	sbarrier.arrive $0xFFFF  }
0x42: {  	_ =	shalt  }

</sc_bundles>
